<compile_context>
chip_gen: v7x
topology: tpu7x:2x2x1
jax: 0.10.2.dev20260603
libtpu: 0.0.44.dev20260713+nightly
codegen_flags: <defaults>
</compile_context>

<pallas_src>
import functools

import jax
import jax.numpy as jnp
from jax import lax
from jax.experimental import pallas as pl
from jax.experimental.pallas import tpu as pltpu
from jax.experimental.pallas import tpu_sc as plsc


def _prep_kernel(x_ref, wk_ref, wq_ref, w0_ref):
    xb = x_ref[...]
    wk = wk_ref[...]
    wq = wq_ref[...]
    cols = []
    for b in range(xb.shape[0]):
        kb = jax.lax.dot_general(xb[b], wk, (((1,), (1,)), ((), ())),
                                 preferred_element_type=jnp.float32)
        qb = jax.lax.dot_general(xb[b], wq, (((1,), (1,)), ((), ())),
                                 preferred_element_type=jnp.float32)
        cols.append(jnp.mean(kb * qb, axis=-1, keepdims=True))
    w0_ref[...] = jnp.concatenate(cols, axis=1)


def _matvec_kernel(c_ref, w_ref, y_ref, *, decay):
    y_ref[...] = jnp.dot(c_ref[...], w_ref[...] * decay,
                         preferred_element_type=jnp.float32)


def _sc_copy_body(src_hbm, dst_hbm, buf, *, n_chunks, cr, n_workers):
    cid = lax.axis_index("c")
    sid = lax.axis_index("s")
    wid = sid * 2 + cid

    def chunk_body(j, carry):
        chunk = wid + j * n_workers
        rows = chunk * cr
        pltpu.sync_copy(src_hbm.at[pl.ds(rows, cr)], buf)
        pltpu.sync_copy(buf, dst_hbm.at[pl.ds(rows, cr)])
        return carry

    my_n = (n_chunks - wid + n_workers - 1) // n_workers
    lax.fori_loop(0, my_n, chunk_body, 0)


def _sc_copy(connection_matrix, n, *, cr=4):
    n_chunks = n // cr
    mesh = plsc.VectorSubcoreMesh(core_axis_name="c", subcore_axis_name="s")
    body = functools.partial(_sc_copy_body, n_chunks=n_chunks, cr=cr,
                             n_workers=32)
    return pl.kernel(
        body,
        mesh=mesh,
        out_type=jax.ShapeDtypeStruct((n, n), jnp.float32),
        scratch_types=[pltpu.VMEM((cr, n), jnp.float32)],
    )(connection_matrix)


def _matvec_copy_kernel(c_ref, w_ref, y_ref, cc_ref, *, decay):
    cb = c_ref[...]
    y_ref[...] = jnp.dot(cb, w_ref[...] * decay,
                         preferred_element_type=jnp.float32)
    cc_ref[...] = cb


def _mv2_final_kernel(c_ref, w0_ref, y1_ref, x_ref, wv_ref, g_ref, bb_ref,
                      out_ref, *, decay, eps):
    i = pl.program_id(0)
    bm = c_ref.shape[0]
    y1 = y1_ref[...]
    y2 = jnp.dot(c_ref[...], y1 * decay,
                 preferred_element_type=jnp.float32)
    wtot = w0_ref[...] + y1_ref[pl.ds(i * bm, bm), :] + y2
    xb = x_ref[...]
    wv = wv_ref[...]
    g = g_ref[...]
    beta = bb_ref[...]
    for b in range(xb.shape[0]):
        vb = jax.lax.dot_general(xb[b], wv, (((1,), (1,)), ((), ())),
                                 preferred_element_type=jnp.float32)
        ob = vb * wtot[:, b:b + 1]
        mu = jnp.mean(ob, axis=-1, keepdims=True)
        var = jnp.mean((ob - mu) ** 2, axis=-1, keepdims=True)
        out_ref[b] = (ob - mu) / jnp.sqrt(var + eps) * g + beta


def kernel(x, connection_matrix, Wk, Wq, Wv, gamma, beta):
    B, N, Cin = x.shape
    KD = Wk.shape[0]
    Cout = Wv.shape[0]
    decay = 0.7
    eps = 1e-5

    BM1 = 1000
    w0 = pl.pallas_call(
        _prep_kernel,
        grid=(N // BM1,),
        in_specs=[
            pl.BlockSpec((B, BM1, Cin), lambda i: (0, i, 0)),
            pl.BlockSpec((KD, Cin), lambda i: (0, 0)),
            pl.BlockSpec((KD, Cin), lambda i: (0, 0)),
        ],
        out_specs=pl.BlockSpec((BM1, B), lambda i: (i, 0)),
        out_shape=jax.ShapeDtypeStruct((N, B), jnp.float32),
    )(x, Wk, Wq)

    BM2 = 200
    mv_copy = pl.pallas_call(
        functools.partial(_matvec_copy_kernel, decay=decay),
        grid=(N // BM2,),
        in_specs=[
            pl.BlockSpec((BM2, N), lambda i: (i, 0)),
            pl.BlockSpec((N, B), lambda i: (0, 0)),
        ],
        out_specs=[
            pl.BlockSpec((BM2, B), lambda i: (i, 0)),
            pl.BlockSpec((BM2, N), lambda i: (i, 0)),
        ],
        out_shape=[
            jax.ShapeDtypeStruct((N, B), jnp.float32),
            jax.ShapeDtypeStruct((N, N), jnp.float32),
        ],
    )
    c_copy = _sc_copy(connection_matrix, N)
    y1 = pl.pallas_call(
        functools.partial(_matvec_kernel, decay=decay),
        grid=(N // BM2,),
        in_specs=[
            pl.BlockSpec((BM2, N), lambda i: (i, 0)),
            pl.BlockSpec((N, B), lambda i: (0, 0)),
        ],
        out_specs=pl.BlockSpec((BM2, B), lambda i: (i, 0)),
        out_shape=jax.ShapeDtypeStruct((N, B), jnp.float32),
    )(connection_matrix, w0)

    out = pl.pallas_call(
        functools.partial(_mv2_final_kernel, decay=decay, eps=eps),
        grid=(N // BM2,),
        in_specs=[
            pl.BlockSpec((BM2, N), lambda i: (i, 0)),
            pl.BlockSpec((BM2, B), lambda i: (i, 0)),
            pl.BlockSpec((N, B), lambda i: (0, 0)),
            pl.BlockSpec((B, BM2, Cin), lambda i: (0, i, 0)),
            pl.BlockSpec((Cout, Cin), lambda i: (0, 0)),
            pl.BlockSpec((1, Cout), lambda i: (0, 0)),
            pl.BlockSpec((1, Cout), lambda i: (0, 0)),
        ],
        out_specs=pl.BlockSpec((B, BM2, Cout), lambda i: (0, i, 0)),
        out_shape=jax.ShapeDtypeStruct((B, N, Cout), jnp.float32),
    )(connection_matrix, w0, y1, x, Wv,
      gamma.reshape(1, Cout), beta.reshape(1, Cout))

    return (out, c_copy)

# --- scband reference (transcript-rebuilt; emitter-appended) ---
"""Pipeline reference for scband-retentive-attention-76166950027414 (READ-ONLY COPY).

The authoritative reference and input builder live on the scoring server;
editing this copy changes nothing except your own understanding.
"""

import jax, jax.numpy as jnp
import numpy as np


def _layernorm(v, gamma, beta, eps=1e-5):
    mu = v.mean(axis=-1, keepdims=True)
    var = ((v - mu) ** 2).mean(axis=-1, keepdims=True)
    return (v - mu) / jnp.sqrt(var + eps) * gamma + beta


def setup_inputs(seed: int = 0) -> dict:
    key = jax.random.key(seed)
    ks = jax.random.split(key, 8)
    B, N, C_in, C_out, KD = 4, 10000, 128, 128, 16
    x = jax.random.normal(ks[0], (B, N, C_in), dtype=jnp.float32)
    connection_matrix = jax.random.uniform(ks[1], (N, N), dtype=jnp.float32)
    s = 1.0 / np.sqrt(C_in)
    Wk = jax.random.uniform(ks[2], (KD, C_in), minval=-s, maxval=s, dtype=jnp.float32)
    Wq = jax.random.uniform(ks[3], (KD, C_in), minval=-s, maxval=s, dtype=jnp.float32)
    Wv = jax.random.uniform(ks[4], (C_out, C_in), minval=-s, maxval=s, dtype=jnp.float32)
    gamma = jnp.ones((C_out,), dtype=jnp.float32)
    beta = jnp.zeros((C_out,), dtype=jnp.float32)
    return {"x": x, "connection_matrix": connection_matrix, "Wk": Wk, "Wq": Wq, "Wv": Wv, "gamma": gamma, "beta": beta}


def reference(x, connection_matrix, Wk, Wq, Wv, gamma, beta):
    n_iterations = 3
    decay = 0.7
    k = x @ Wk.T                      # [B, N, KD]
    q = x @ Wq.T                      # [B, N, KD]
    values = x @ Wv.T                 # [B, N, C_out]
    weights = (k * q).mean(axis=-1, keepdims=True)   # [B, N, 1]
    iter_weights = jnp.squeeze(weights).T            # [N, B]
    for _ in range(1, n_iterations):
        iter_weights = iter_weights * decay
        iter_weights = connection_matrix @ iter_weights   # sparse.mm equivalent
        weights = weights + iter_weights.T[..., None]
    output = _layernorm(values * weights, gamma, beta)
    return (output, connection_matrix)

if __name__ == "__main__":
    import jax
    _d = setup_inputs()
    print(jax.jit(kernel)(*tuple(_d.values())))

</pallas_src>

<mosaic_0001>
#map = affine_map<(d0, d1) -> (0, 0)>
module attributes {stable_mosaic.version = 14 : i64} {
  func.func @_sc_copy_body(%arg0: i32, %arg1: i32, %arg2: memref<10000x10000xf32, #tpu.memory_space<hbm>>, %arg3: memref<10000x10000xf32, #tpu.memory_space<hbm>>, %arg4: memref<4x10000xf32, #tpu.memory_space<vmem>>) attributes {dimension_semantics = [#tpu.dimension_semantics<core_parallel>, #tpu.dimension_semantics<subcore_parallel>], iteration_bounds = array<i64: 2, 16>, scalar_prefetch = 0 : i64, scratch_operands = 1 : i64, tpu.core_type = #tpu.core_type<sc_vector_subcore>, window_params = [{transform_indices = #map}, {transform_indices = #map}]} {
    %mul3A = arith.constant 2 : i32
    %mul3A_0 = arith.muli %arg1, %mul3A : i32
    %add3A = arith.addi %mul3A_0, %arg0 : i32
    %sub3A = arith.constant 2500 : i32
    %sub3A_1 = arith.subi %sub3A, %add3A : i32
    %add3A_2 = arith.constant 32 : i32
    %add3A_3 = arith.addi %sub3A_1, %add3A_2 : i32
    %sub3A_4 = arith.constant 1 : i32
    %sub3A_5 = arith.subi %add3A_3, %sub3A_4 : i32
    %jit3A = arith.constant 32 : i32
    %div3A = arith.divsi %sub3A_5, %jit3A : i32
    %sign3A = arith.constant 0 : i32
    %sign3A_6 = arith.cmpi sgt, %sub3A_5, %sign3A : i32
    %sign3A_7 = arith.extui %sign3A_6 : i1 to i32
    %sign3A_8 = arith.constant 0 : i32
    %sign3A_9 = arith.cmpi slt, %sub3A_5, %sign3A_8 : i32
    %sign3A_10 = arith.extui %sign3A_9 : i1 to i32
    %sign3A_11 = arith.subi %sign3A_7, %sign3A_10 : i32
    %sign3A_12 = arith.constant 0 : i32
    %sign3A_13 = arith.cmpi sgt, %jit3A, %sign3A_12 : i32
    %sign3A_14 = arith.extui %sign3A_13 : i1 to i32
    %sign3A_15 = arith.constant 0 : i32
    %sign3A_16 = arith.cmpi slt, %jit3A, %sign3A_15 : i32
    %sign3A_17 = arith.extui %sign3A_16 : i1 to i32
    %sign3A_18 = arith.subi %sign3A_14, %sign3A_17 : i32
    %ne3A = arith.cmpi ne, %sign3A_11, %sign3A_18 : i32
    %rem3A = arith.remsi %sub3A_5, %jit3A : i32
    %ne3A_19 = arith.constant 0 : i32
    %ne3A_20 = arith.cmpi ne, %rem3A, %ne3A_19 : i32
    %and3A = arith.andi %ne3A, %ne3A_20 : i1
    %sub3A_21 = arith.constant 1 : i32
    %sub3A_22 = arith.subi %div3A, %sub3A_21 : i32
    %select_n3A = arith.select %and3A, %sub3A_22, %div3A : i32
    %while3A = arith.constant 0 : i32
    %while3A_23 = arith.constant 0 : i32
    %while3A_24 = arith.subi %select_n3A, %while3A_23 : i32
    %while3A_25 = arith.addi %while3A_23, %while3A_24 : i32
    %while3A_26 = arith.constant 1 : i32
    %while3A_27 = arith.divsi %while3A_24, %while3A_26 : i32
    %while3A_28 = arith.muli %while3A_27, %while3A_26 : i32
    %while3A_29 = arith.addi %while3A_23, %while3A_28 : i32
    %while3A_30 = arith.constant 1 : i32
    scf.for %while3A_32 = %while3A_23 to %while3A_29 step %while3A_30  : i32 {
      %mul3A_33 = arith.constant 32 : i32
      %mul3A_34 = arith.muli %while3A_32, %mul3A_33 : i32
      %add3A_35 = arith.addi %add3A, %mul3A_34 : i32
      %mul3A_36 = arith.constant 4 : i32
      %mul3A_37 = arith.muli %add3A_35, %mul3A_36 : i32
      "tpu.region"() ({
        %run_scoped3A = tpu.sem_alloc : memref<!tpu.dma_semaphore, #tpu.memory_space<semaphore_mem>>
        %dma_start3A = arith.constant 0 : i32
        %dma_start3A_38 = tpu.memref_slice %arg2[%mul3A_37, %dma_start3A] : memref<10000x10000xf32, #tpu.memory_space<hbm>> -> memref<4x10000xf32, #tpu.memory_space<hbm>>
        %dma_start3A_39 = arith.constant 0 : i32
        %dma_start3A_40 = tpu.memref_slice %arg2[%mul3A_37, %dma_start3A_39] : memref<10000x10000xf32, #tpu.memory_space<hbm>> -> memref<4x10000xf32, #tpu.memory_space<hbm>>
        tpu.enqueue_dma source(%dma_start3A_40 : memref<4x10000xf32, #tpu.memory_space<hbm>>) target(%arg4 : memref<4x10000xf32, #tpu.memory_space<vmem>>) target_semaphore(%run_scoped3A : memref<!tpu.dma_semaphore, #tpu.memory_space<semaphore_mem>>)
        %dma_wait3A = arith.constant 0 : i32
        %dma_wait3A_41 = tpu.memref_slice %arg2[%mul3A_37, %dma_wait3A] : memref<10000x10000xf32, #tpu.memory_space<hbm>> -> memref<4x10000xf32, #tpu.memory_space<hbm>>
        %dma_wait3A_42 = arith.constant 0 : i32
        %dma_wait3A_43 = tpu.memref_slice %arg2[%mul3A_37, %dma_wait3A_42] : memref<10000x10000xf32, #tpu.memory_space<hbm>> -> memref<4x10000xf32, #tpu.memory_space<hbm>>
        tpu.wait_dma2 semaphore(%run_scoped3A : memref<!tpu.dma_semaphore, #tpu.memory_space<semaphore_mem>>) src(%dma_wait3A_43 : memref<4x10000xf32, #tpu.memory_space<hbm>>) dst(%arg4 : memref<4x10000xf32, #tpu.memory_space<vmem>>)
        tpu.yield
      }) : () -> ()
      "tpu.region"() ({
        %run_scoped3A = tpu.sem_alloc : memref<!tpu.dma_semaphore, #tpu.memory_space<semaphore_mem>>
        %dma_start3A = arith.constant 0 : i32
        %dma_start3A_38 = tpu.memref_slice %arg3[%mul3A_37, %dma_start3A] : memref<10000x10000xf32, #tpu.memory_space<hbm>> -> memref<4x10000xf32, #tpu.memory_space<hbm>>
        %dma_start3A_39 = arith.constant 0 : i32
        %dma_start3A_40 = tpu.memref_slice %arg3[%mul3A_37, %dma_start3A_39] : memref<10000x10000xf32, #tpu.memory_space<hbm>> -> memref<4x10000xf32, #tpu.memory_space<hbm>>
        tpu.enqueue_dma source(%arg4 : memref<4x10000xf32, #tpu.memory_space<vmem>>) target(%dma_start3A_40 : memref<4x10000xf32, #tpu.memory_space<hbm>>) target_semaphore(%run_scoped3A : memref<!tpu.dma_semaphore, #tpu.memory_space<semaphore_mem>>)
        %dma_wait3A = arith.constant 0 : i32
        %dma_wait3A_41 = tpu.memref_slice %arg3[%mul3A_37, %dma_wait3A] : memref<10000x10000xf32, #tpu.memory_space<hbm>> -> memref<4x10000xf32, #tpu.memory_space<hbm>>
        %dma_wait3A_42 = arith.constant 0 : i32
        %dma_wait3A_43 = tpu.memref_slice %arg3[%mul3A_37, %dma_wait3A_42] : memref<10000x10000xf32, #tpu.memory_space<hbm>> -> memref<4x10000xf32, #tpu.memory_space<hbm>>
        tpu.wait_dma2 semaphore(%run_scoped3A : memref<!tpu.dma_semaphore, #tpu.memory_space<semaphore_mem>>) src(%arg4 : memref<4x10000xf32, #tpu.memory_space<vmem>>) dst(%dma_wait3A_43 : memref<4x10000xf32, #tpu.memory_space<hbm>>)
        tpu.yield
      }) : () -> ()
    }
    %while3A_31 = arith.constant 1 : i32
    scf.for %while3A_32 = %while3A_29 to %while3A_25 step %while3A_31  : i32 {
      %mul3A_33 = arith.constant 32 : i32
      %mul3A_34 = arith.muli %while3A_32, %mul3A_33 : i32
      %add3A_35 = arith.addi %add3A, %mul3A_34 : i32
      %mul3A_36 = arith.constant 4 : i32
      %mul3A_37 = arith.muli %add3A_35, %mul3A_36 : i32
      "tpu.region"() ({
        %run_scoped3A = tpu.sem_alloc : memref<!tpu.dma_semaphore, #tpu.memory_space<semaphore_mem>>
        %dma_start3A = arith.constant 0 : i32
        %dma_start3A_38 = tpu.memref_slice %arg2[%mul3A_37, %dma_start3A] : memref<10000x10000xf32, #tpu.memory_space<hbm>> -> memref<4x10000xf32, #tpu.memory_space<hbm>>
        %dma_start3A_39 = arith.constant 0 : i32
        %dma_start3A_40 = tpu.memref_slice %arg2[%mul3A_37, %dma_start3A_39] : memref<10000x10000xf32, #tpu.memory_space<hbm>> -> memref<4x10000xf32, #tpu.memory_space<hbm>>
        tpu.enqueue_dma source(%dma_start3A_40 : memref<4x10000xf32, #tpu.memory_space<hbm>>) target(%arg4 : memref<4x10000xf32, #tpu.memory_space<vmem>>) target_semaphore(%run_scoped3A : memref<!tpu.dma_semaphore, #tpu.memory_space<semaphore_mem>>)
        %dma_wait3A = arith.constant 0 : i32
        %dma_wait3A_41 = tpu.memref_slice %arg2[%mul3A_37, %dma_wait3A] : memref<10000x10000xf32, #tpu.memory_space<hbm>> -> memref<4x10000xf32, #tpu.memory_space<hbm>>
        %dma_wait3A_42 = arith.constant 0 : i32
        %dma_wait3A_43 = tpu.memref_slice %arg2[%mul3A_37, %dma_wait3A_42] : memref<10000x10000xf32, #tpu.memory_space<hbm>> -> memref<4x10000xf32, #tpu.memory_space<hbm>>
        tpu.wait_dma2 semaphore(%run_scoped3A : memref<!tpu.dma_semaphore, #tpu.memory_space<semaphore_mem>>) src(%dma_wait3A_43 : memref<4x10000xf32, #tpu.memory_space<hbm>>) dst(%arg4 : memref<4x10000xf32, #tpu.memory_space<vmem>>)
        tpu.yield
      }) : () -> ()
      "tpu.region"() ({
        %run_scoped3A = tpu.sem_alloc : memref<!tpu.dma_semaphore, #tpu.memory_space<semaphore_mem>>
        %dma_start3A = arith.constant 0 : i32
        %dma_start3A_38 = tpu.memref_slice %arg3[%mul3A_37, %dma_start3A] : memref<10000x10000xf32, #tpu.memory_space<hbm>> -> memref<4x10000xf32, #tpu.memory_space<hbm>>
        %dma_start3A_39 = arith.constant 0 : i32
        %dma_start3A_40 = tpu.memref_slice %arg3[%mul3A_37, %dma_start3A_39] : memref<10000x10000xf32, #tpu.memory_space<hbm>> -> memref<4x10000xf32, #tpu.memory_space<hbm>>
        tpu.enqueue_dma source(%arg4 : memref<4x10000xf32, #tpu.memory_space<vmem>>) target(%dma_start3A_40 : memref<4x10000xf32, #tpu.memory_space<hbm>>) target_semaphore(%run_scoped3A : memref<!tpu.dma_semaphore, #tpu.memory_space<semaphore_mem>>)
        %dma_wait3A = arith.constant 0 : i32
        %dma_wait3A_41 = tpu.memref_slice %arg3[%mul3A_37, %dma_wait3A] : memref<10000x10000xf32, #tpu.memory_space<hbm>> -> memref<4x10000xf32, #tpu.memory_space<hbm>>
        %dma_wait3A_42 = arith.constant 0 : i32
        %dma_wait3A_43 = tpu.memref_slice %arg3[%mul3A_37, %dma_wait3A_42] : memref<10000x10000xf32, #tpu.memory_space<hbm>> -> memref<4x10000xf32, #tpu.memory_space<hbm>>
        tpu.wait_dma2 semaphore(%run_scoped3A : memref<!tpu.dma_semaphore, #tpu.memory_space<semaphore_mem>>) src(%arg4 : memref<4x10000xf32, #tpu.memory_space<vmem>>) dst(%dma_wait3A_43 : memref<4x10000xf32, #tpu.memory_space<hbm>>)
        tpu.yield
      }) : () -> ()
    }
    return
  }
}

module attributes {stable_mosaic.version = 14 : i64} {
  func.func @_mv2_final_kernel(%arg0: i32, %arg1: memref<200x10000xf32, #tpu.memory_space<vmem>>, %arg2: memref<200x4xf32, #tpu.memory_space<vmem>>, %arg3: memref<10000x4xf32, #tpu.memory_space<vmem>>, %arg4: memref<4x200x128xf32, #tpu.memory_space<vmem>>, %arg5: memref<128x128xf32, #tpu.memory_space<vmem>>, %arg6: memref<1x128xf32, #tpu.memory_space<vmem>>, %arg7: memref<1x128xf32, #tpu.memory_space<vmem>>, %arg8: memref<4x200x128xf32, #tpu.memory_space<vmem>>) attributes {dimension_semantics = [#tpu.dimension_semantics<arbitrary>], iteration_bounds = array<i64: 50>, scalar_prefetch = 0 : i64, scratch_operands = 0 : i64, tpu.core_type = #tpu.core_type<tc>, window_params = [{transform_indices = @transform_0, window_bounds = array<i64: 200, 10000>}, {transform_indices = @transform_1, window_bounds = array<i64: 200, 4>}, {pipeline_mode = #tpu.pipeline_mode<synchronous>, transform_indices = @transform_2, window_bounds = array<i64: 10000, 4>}, {transform_indices = @transform_3, window_bounds = array<i64: 4, 200, 128>}, {pipeline_mode = #tpu.pipeline_mode<synchronous>, transform_indices = @transform_4, window_bounds = array<i64: 128, 128>}, {pipeline_mode = #tpu.pipeline_mode<synchronous>, transform_indices = @transform_5, window_bounds = array<i64: 1, 128>}, {pipeline_mode = #tpu.pipeline_mode<synchronous>, transform_indices = @transform_6, window_bounds = array<i64: 1, 128>}, {transform_indices = @transform_7, window_bounds = array<i64: 4, 200, 128>}]} {
    %get3A = arith.constant 0 : index
    %get3A_0 = arith.constant 0 : index
    %get3A_1 = vector.load %arg3[%get3A, %get3A_0] : memref<10000x4xf32, #tpu.memory_space<vmem>>, vector<10000x4xf32>
    %get3A_2 = arith.constant 0 : index
    %get3A_3 = arith.constant 0 : index
    %get3A_4 = vector.load %arg1[%get3A_2, %get3A_3] : memref<200x10000xf32, #tpu.memory_space<vmem>>, vector<200x10000xf32>
    %mul3A = arith.constant 0.699999988 : f32
    %mul3A_5 = vector.broadcast %mul3A : f32 to vector<10000x4xf32>
    %mul3A_6 = arith.mulf %get3A_1, %mul3A_5 : vector<10000x4xf32>
    %dot_general3A = arith.constant dense<0.000000e+00> : vector<200x4xf32>
    %dot_general3A_7 = tpu.matmul %get3A_4, %mul3A_6, %dot_general3A {dimension_numbers = #tpu.dot_dimension_numbers<[1], [0], [0], [1], [0, 0, 1, 1], [], []>, transpose_lhs_hint = false} : vector<200x10000xf32>, vector<10000x4xf32>, vector<200x4xf32> -> vector<200x4xf32>
    %get3A_8 = arith.constant 0 : index
    %get3A_9 = arith.constant 0 : index
    %get3A_10 = vector.load %arg2[%get3A_8, %get3A_9] : memref<200x4xf32, #tpu.memory_space<vmem>>, vector<200x4xf32>
    %mul3A_11 = arith.constant 200 : i32
    %mul3A_12 = arith.muli %arg0, %mul3A_11 : i32
    %get3A_13 = arith.index_cast %mul3A_12 : i32 to index
    %get3A_14 = arith.constant 0 : index
    %get3A_15 = vector.load %arg3[%get3A_13, %get3A_14] : memref<10000x4xf32, #tpu.memory_space<vmem>>, vector<200x4xf32>
    %add3A = arith.addf %get3A_10, %get3A_15 : vector<200x4xf32>
    %add3A_16 = arith.addf %add3A, %dot_general3A_7 : vector<200x4xf32>
    %get3A_17 = arith.constant 0 : index
    %get3A_18 = arith.constant 0 : index
    %get3A_19 = arith.constant 0 : index
    %get3A_20 = vector.load %arg4[%get3A_17, %get3A_18, %get3A_19] : memref<4x200x128xf32, #tpu.memory_space<vmem>>, vector<4x200x128xf32>
    %get3A_21 = arith.constant 0 : index
    %get3A_22 = arith.constant 0 : index
    %get3A_23 = vector.load %arg5[%get3A_21, %get3A_22] : memref<128x128xf32, #tpu.memory_space<vmem>>, vector<128x128xf32>
    %get3A_24 = arith.constant 0 : index
    %get3A_25 = arith.constant 0 : index
    %get3A_26 = vector.load %arg6[%get3A_24, %get3A_25] : memref<1x128xf32, #tpu.memory_space<vmem>>, vector<1x128xf32>
    %get3A_27 = arith.constant 0 : index
    %get3A_28 = arith.constant 0 : index
    %get3A_29 = vector.load %arg7[%get3A_27, %get3A_28] : memref<1x128xf32, #tpu.memory_space<vmem>>, vector<1x128xf32>
    %slice3A = vector.extract_strided_slice %get3A_20 {offsets = [0, 0, 0], sizes = [1, 200, 128], strides = [1, 1, 1]} : vector<4x200x128xf32> to vector<1x200x128xf32>
    %squeeze3A = vector.shape_cast %slice3A : vector<1x200x128xf32> to vector<200x128xf32>
    %dot_general3A_30 = arith.constant dense<0.000000e+00> : vector<200x128xf32>
    %dot_general3A_31 = tpu.matmul %squeeze3A, %get3A_23, %dot_general3A_30 {dimension_numbers = #tpu.dot_dimension_numbers<[1], [1], [0], [0], [0, 0, 1, 0], [], []>, transpose_lhs_hint = false} : vector<200x128xf32>, vector<128x128xf32>, vector<200x128xf32> -> vector<200x128xf32>
    %slice3A_32 = vector.extract_strided_slice %add3A_16 {offsets = [0, 0], sizes = [200, 1], strides = [1, 1]} : vector<200x4xf32> to vector<200x1xf32>
    %mul3A_33 = vector.broadcast %slice3A_32 : vector<200x1xf32> to vector<200x128xf32>
    %mul3A_34 = arith.mulf %dot_general3A_31, %mul3A_33 : vector<200x128xf32>
    %reduce_sum3A = arith.constant dense<0.000000e+00> : vector<200xf32>
    %reduce_sum3A_35 = vector.multi_reduction <add>, %mul3A_34, %reduce_sum3A [1] : vector<200x128xf32> to vector<200xf32>
    %broadcast_in_dim3A = vector.shape_cast %reduce_sum3A_35 : vector<200xf32> to vector<200x1xf32>
    %div3A = arith.constant 1.280000e+02 : f32
    %div3A_36 = vector.broadcast %div3A : f32 to vector<200x1xf32>
    %div3A_37 = arith.divf %broadcast_in_dim3A, %div3A_36 : vector<200x1xf32>
    %sub3A = vector.broadcast %div3A_37 : vector<200x1xf32> to vector<200x128xf32>
    %sub3A_38 = arith.subf %mul3A_34, %sub3A : vector<200x128xf32>
    %integer_pow3A = arith.mulf %sub3A_38, %sub3A_38 : vector<200x128xf32>
    %reduce_sum3A_39 = arith.constant dense<0.000000e+00> : vector<200xf32>
    %reduce_sum3A_40 = vector.multi_reduction <add>, %integer_pow3A, %reduce_sum3A_39 [1] : vector<200x128xf32> to vector<200xf32>
    %broadcast_in_dim3A_41 = vector.shape_cast %reduce_sum3A_40 : vector<200xf32> to vector<200x1xf32>
    %div3A_42 = arith.constant 1.280000e+02 : f32
    %div3A_43 = vector.broadcast %div3A_42 : f32 to vector<200x1xf32>
    %div3A_44 = arith.divf %broadcast_in_dim3A_41, %div3A_43 : vector<200x1xf32>
    %sub3A_45 = vector.broadcast %div3A_37 : vector<200x1xf32> to vector<200x128xf32>
    %sub3A_46 = arith.subf %mul3A_34, %sub3A_45 : vector<200x128xf32>
    %add3A_47 = arith.constant 9.99999974E-6 : f32
    %add3A_48 = vector.broadcast %add3A_47 : f32 to vector<200x1xf32>
    %add3A_49 = arith.addf %div3A_44, %add3A_48 : vector<200x1xf32>
    %sqrt3A = math.sqrt %add3A_49 : vector<200x1xf32>
    %div3A_50 = vector.broadcast %sqrt3A : vector<200x1xf32> to vector<200x128xf32>
    %div3A_51 = arith.divf %sub3A_46, %div3A_50 : vector<200x128xf32>
    %mul3A_52 = vector.broadcast %get3A_26 : vector<1x128xf32> to vector<200x128xf32>
    %mul3A_53 = arith.mulf %div3A_51, %mul3A_52 : vector<200x128xf32>
    %add3A_54 = vector.broadcast %get3A_29 : vector<1x128xf32> to vector<200x128xf32>
    %add3A_55 = arith.addf %mul3A_53, %add3A_54 : vector<200x128xf32>
    %swap3A = arith.constant 0 : index
    %swap3A_56 = arith.constant 0 : index
    %swap3A_57 = arith.constant 0 : index
    %swap3A_58 = vector.load %arg8[%swap3A, %swap3A_56, %swap3A_57] : memref<4x200x128xf32, #tpu.memory_space<vmem>>, vector<1x200x128xf32>
    %swap3A_59 = vector.shape_cast %swap3A_58 : vector<1x200x128xf32> to vector<200x128xf32>
    %swap3A_60 = vector.shape_cast %add3A_55 : vector<200x128xf32> to vector<1x200x128xf32>
    tpu.vector_store %arg8[%swap3A, %swap3A_56, %swap3A_57], %swap3A_60 {strides = array<i32>} : memref<4x200x128xf32, #tpu.memory_space<vmem>>, vector<1x200x128xf32>,
    %slice3A_61 = vector.extract_strided_slice %get3A_20 {offsets = [1, 0, 0], sizes = [1, 200, 128], strides = [1, 1, 1]} : vector<4x200x128xf32> to vector<1x200x128xf32>
    %squeeze3A_62 = vector.shape_cast %slice3A_61 : vector<1x200x128xf32> to vector<200x128xf32>
    %dot_general3A_63 = arith.constant dense<0.000000e+00> : vector<200x128xf32>
    %dot_general3A_64 = tpu.matmul %squeeze3A_62, %get3A_23, %dot_general3A_63 {dimension_numbers = #tpu.dot_dimension_numbers<[1], [1], [0], [0], [0, 0, 1, 0], [], []>, transpose_lhs_hint = false} : vector<200x128xf32>, vector<128x128xf32>, vector<200x128xf32> -> vector<200x128xf32>
    %slice3A_65 = vector.extract_strided_slice %add3A_16 {offsets = [0, 1], sizes = [200, 1], strides = [1, 1]} : vector<200x4xf32> to vector<200x1xf32>
    %mul3A_66 = vector.broadcast %slice3A_65 : vector<200x1xf32> to vector<200x128xf32>
    %mul3A_67 = arith.mulf %dot_general3A_64, %mul3A_66 : vector<200x128xf32>
    %reduce_sum3A_68 = arith.constant dense<0.000000e+00> : vector<200xf32>
    %reduce_sum3A_69 = vector.multi_reduction <add>, %mul3A_67, %reduce_sum3A_68 [1] : vector<200x128xf32> to vector<200xf32>
    %broadcast_in_dim3A_70 = vector.shape_cast %reduce_sum3A_69 : vector<200xf32> to vector<200x1xf32>
    %div3A_71 = arith.constant 1.280000e+02 : f32
    %div3A_72 = vector.broadcast %div3A_71 : f32 to vector<200x1xf32>
    %div3A_73 = arith.divf %broadcast_in_dim3A_70, %div3A_72 : vector<200x1xf32>
    %sub3A_74 = vector.broadcast %div3A_73 : vector<200x1xf32> to vector<200x128xf32>
    %sub3A_75 = arith.subf %mul3A_67, %sub3A_74 : vector<200x128xf32>
    %integer_pow3A_76 = arith.mulf %sub3A_75, %sub3A_75 : vector<200x128xf32>
    %reduce_sum3A_77 = arith.constant dense<0.000000e+00> : vector<200xf32>
    %reduce_sum3A_78 = vector.multi_reduction <add>, %integer_pow3A_76, %reduce_sum3A_77 [1] : vector<200x128xf32> to vector<200xf32>
    %broadcast_in_dim3A_79 = vector.shape_cast %reduce_sum3A_78 : vector<200xf32> to vector<200x1xf32>
    %div3A_80 = arith.constant 1.280000e+02 : f32
    %div3A_81 = vector.broadcast %div3A_80 : f32 to vector<200x1xf32>
    %div3A_82 = arith.divf %broadcast_in_dim3A_79, %div3A_81 : vector<200x1xf32>
    %sub3A_83 = vector.broadcast %div3A_73 : vector<200x1xf32> to vector<200x128xf32>
    %sub3A_84 = arith.subf %mul3A_67, %sub3A_83 : vector<200x128xf32>
    %add3A_85 = arith.constant 9.99999974E-6 : f32
    %add3A_86 = vector.broadcast %add3A_85 : f32 to vector<200x1xf32>
    %add3A_87 = arith.addf %div3A_82, %add3A_86 : vector<200x1xf32>
    %sqrt3A_88 = math.sqrt %add3A_87 : vector<200x1xf32>
    %div3A_89 = vector.broadcast %sqrt3A_88 : vector<200x1xf32> to vector<200x128xf32>
    %div3A_90 = arith.divf %sub3A_84, %div3A_89 : vector<200x128xf32>
    %mul3A_91 = vector.broadcast %get3A_26 : vector<1x128xf32> to vector<200x128xf32>
    %mul3A_92 = arith.mulf %div3A_90, %mul3A_91 : vector<200x128xf32>
    %add3A_93 = vector.broadcast %get3A_29 : vector<1x128xf32> to vector<200x128xf32>
    %add3A_94 = arith.addf %mul3A_92, %add3A_93 : vector<200x128xf32>
    %swap3A_95 = arith.constant 1 : index
    %swap3A_96 = arith.constant 0 : index
    %swap3A_97 = arith.constant 0 : index
    %swap3A_98 = vector.load %arg8[%swap3A_95, %swap3A_96, %swap3A_97] : memref<4x200x128xf32, #tpu.memory_space<vmem>>, vector<1x200x128xf32>
    %swap3A_99 = vector.shape_cast %swap3A_98 : vector<1x200x128xf32> to vector<200x128xf32>
    %swap3A_100 = vector.shape_cast %add3A_94 : vector<200x128xf32> to vector<1x200x128xf32>
    tpu.vector_store %arg8[%swap3A_95, %swap3A_96, %swap3A_97], %swap3A_100 {strides = array<i32>} : memref<4x200x128xf32, #tpu.memory_space<vmem>>, vector<1x200x128xf32>,
    %slice3A_101 = vector.extract_strided_slice %get3A_20 {offsets = [2, 0, 0], sizes = [1, 200, 128], strides = [1, 1, 1]} : vector<4x200x128xf32> to vector<1x200x128xf32>
    %squeeze3A_102 = vector.shape_cast %slice3A_101 : vector<1x200x128xf32> to vector<200x128xf32>
    %dot_general3A_103 = arith.constant dense<0.000000e+00> : vector<200x128xf32>
    %dot_general3A_104 = tpu.matmul %squeeze3A_102, %get3A_23, %dot_general3A_103 {dimension_numbers = #tpu.dot_dimension_numbers<[1], [1], [0], [0], [0, 0, 1, 0], [], []>, transpose_lhs_hint = false} : vector<200x128xf32>, vector<128x128xf32>, vector<200x128xf32> -> vector<200x128xf32>
    %slice3A_105 = vector.extract_strided_slice %add3A_16 {offsets = [0, 2], sizes = [200, 1], strides = [1, 1]} : vector<200x4xf32> to vector<200x1xf32>
    %mul3A_106 = vector.broadcast %slice3A_105 : vector<200x1xf32> to vector<200x128xf32>
    %mul3A_107 = arith.mulf %dot_general3A_104, %mul3A_106 : vector<200x128xf32>
    %reduce_sum3A_108 = arith.constant dense<0.000000e+00> : vector<200xf32>
    %reduce_sum3A_109 = vector.multi_reduction <add>, %mul3A_107, %reduce_sum3A_108 [1] : vector<200x128xf32> to vector<200xf32>
    %broadcast_in_dim3A_110 = vector.shape_cast %reduce_sum3A_109 : vector<200xf32> to vector<200x1xf32>
    %div3A_111 = arith.constant 1.280000e+02 : f32
    %div3A_112 = vector.broadcast %div3A_111 : f32 to vector<200x1xf32>
    %div3A_113 = arith.divf %broadcast_in_dim3A_110, %div3A_112 : vector<200x1xf32>
    %sub3A_114 = vector.broadcast %div3A_113 : vector<200x1xf32> to vector<200x128xf32>
    %sub3A_115 = arith.subf %mul3A_107, %sub3A_114 : vector<200x128xf32>
    %integer_pow3A_116 = arith.mulf %sub3A_115, %sub3A_115 : vector<200x128xf32>
    %reduce_sum3A_117 = arith.constant dense<0.000000e+00> : vector<200xf32>
    %reduce_sum3A_118 = vector.multi_reduction <add>, %integer_pow3A_116, %reduce_sum3A_117 [1] : vector<200x128xf32> to vector<200xf32>
    %broadcast_in_dim3A_119 = vector.shape_cast %reduce_sum3A_118 : vector<200xf32> to vector<200x1xf32>
    %div3A_120 = arith.constant 1.280000e+02 : f32
    %div3A_121 = vector.broadcast %div3A_120 : f32 to vector<200x1xf32>
    %div3A_122 = arith.divf %broadcast_in_dim3A_119, %div3A_121 : vector<200x1xf32>
    %sub3A_123 = vector.broadcast %div3A_113 : vector<200x1xf32> to vector<200x128xf32>
    %sub3A_124 = arith.subf %mul3A_107, %sub3A_123 : vector<200x128xf32>
    %add3A_125 = arith.constant 9.99999974E-6 : f32
    %add3A_126 = vector.broadcast %add3A_125 : f32 to vector<200x1xf32>
    %add3A_127 = arith.addf %div3A_122, %add3A_126 : vector<200x1xf32>
    %sqrt3A_128 = math.sqrt %add3A_127 : vector<200x1xf32>
    %div3A_129 = vector.broadcast %sqrt3A_128 : vector<200x1xf32> to vector<200x128xf32>
    %div3A_130 = arith.divf %sub3A_124, %div3A_129 : vector<200x128xf32>
    %mul3A_131 = vector.broadcast %get3A_26 : vector<1x128xf32> to vector<200x128xf32>
    %mul3A_132 = arith.mulf %div3A_130, %mul3A_131 : vector<200x128xf32>
    %add3A_133 = vector.broadcast %get3A_29 : vector<1x128xf32> to vector<200x128xf32>
    %add3A_134 = arith.addf %mul3A_132, %add3A_133 : vector<200x128xf32>
    %swap3A_135 = arith.constant 2 : index
    %swap3A_136 = arith.constant 0 : index
    %swap3A_137 = arith.constant 0 : index
    %swap3A_138 = vector.load %arg8[%swap3A_135, %swap3A_136, %swap3A_137] : memref<4x200x128xf32, #tpu.memory_space<vmem>>, vector<1x200x128xf32>
    %swap3A_139 = vector.shape_cast %swap3A_138 : vector<1x200x128xf32> to vector<200x128xf32>
    %swap3A_140 = vector.shape_cast %add3A_134 : vector<200x128xf32> to vector<1x200x128xf32>
    tpu.vector_store %arg8[%swap3A_135, %swap3A_136, %swap3A_137], %swap3A_140 {strides = array<i32>} : memref<4x200x128xf32, #tpu.memory_space<vmem>>, vector<1x200x128xf32>,
    %slice3A_141 = vector.extract_strided_slice %get3A_20 {offsets = [3, 0, 0], sizes = [1, 200, 128], strides = [1, 1, 1]} : vector<4x200x128xf32> to vector<1x200x128xf32>
    %squeeze3A_142 = vector.shape_cast %slice3A_141 : vector<1x200x128xf32> to vector<200x128xf32>
    %dot_general3A_143 = arith.constant dense<0.000000e+00> : vector<200x128xf32>
    %dot_general3A_144 = tpu.matmul %squeeze3A_142, %get3A_23, %dot_general3A_143 {dimension_numbers = #tpu.dot_dimension_numbers<[1], [1], [0], [0], [0, 0, 1, 0], [], []>, transpose_lhs_hint = false} : vector<200x128xf32>, vector<128x128xf32>, vector<200x128xf32> -> vector<200x128xf32>
    %slice3A_145 = vector.extract_strided_slice %add3A_16 {offsets = [0, 3], sizes = [200, 1], strides = [1, 1]} : vector<200x4xf32> to vector<200x1xf32>
    %mul3A_146 = vector.broadcast %slice3A_145 : vector<200x1xf32> to vector<200x128xf32>
    %mul3A_147 = arith.mulf %dot_general3A_144, %mul3A_146 : vector<200x128xf32>
    %reduce_sum3A_148 = arith.constant dense<0.000000e+00> : vector<200xf32>
    %reduce_sum3A_149 = vector.multi_reduction <add>, %mul3A_147, %reduce_sum3A_148 [1] : vector<200x128xf32> to vector<200xf32>
    %broadcast_in_dim3A_150 = vector.shape_cast %reduce_sum3A_149 : vector<200xf32> to vector<200x1xf32>
    %div3A_151 = arith.constant 1.280000e+02 : f32
    %div3A_152 = vector.broadcast %div3A_151 : f32 to vector<200x1xf32>
    %div3A_153 = arith.divf %broadcast_in_dim3A_150, %div3A_152 : vector<200x1xf32>
    %sub3A_154 = vector.broadcast %div3A_153 : vector<200x1xf32> to vector<200x128xf32>
    %sub3A_155 = arith.subf %mul3A_147, %sub3A_154 : vector<200x128xf32>
    %integer_pow3A_156 = arith.mulf %sub3A_155, %sub3A_155 : vector<200x128xf32>
    %reduce_sum3A_157 = arith.constant dense<0.000000e+00> : vector<200xf32>
    %reduce_sum3A_158 = vector.multi_reduction <add>, %integer_pow3A_156, %reduce_sum3A_157 [1] : vector<200x128xf32> to vector<200xf32>
    %broadcast_in_dim3A_159 = vector.shape_cast %reduce_sum3A_158 : vector<200xf32> to vector<200x1xf32>
    %div3A_160 = arith.constant 1.280000e+02 : f32
    %div3A_161 = vector.broadcast %div3A_160 : f32 to vector<200x1xf32>
    %div3A_162 = arith.divf %broadcast_in_dim3A_159, %div3A_161 : vector<200x1xf32>
    %sub3A_163 = vector.broadcast %div3A_153 : vector<200x1xf32> to vector<200x128xf32>
    %sub3A_164 = arith.subf %mul3A_147, %sub3A_163 : vector<200x128xf32>
    %add3A_165 = arith.constant 9.99999974E-6 : f32
    %add3A_166 = vector.broadcast %add3A_165 : f32 to vector<200x1xf32>
    %add3A_167 = arith.addf %div3A_162, %add3A_166 : vector<200x1xf32>
    %sqrt3A_168 = math.sqrt %add3A_167 : vector<200x1xf32>
    %div3A_169 = vector.broadcast %sqrt3A_168 : vector<200x1xf32> to vector<200x128xf32>
    %div3A_170 = arith.divf %sub3A_164, %div3A_169 : vector<200x128xf32>
    %mul3A_171 = vector.broadcast %get3A_26 : vector<1x128xf32> to vector<200x128xf32>
    %mul3A_172 = arith.mulf %div3A_170, %mul3A_171 : vector<200x128xf32>
    %add3A_173 = vector.broadcast %get3A_29 : vector<1x128xf32> to vector<200x128xf32>
    %add3A_174 = arith.addf %mul3A_172, %add3A_173 : vector<200x128xf32>
    %swap3A_175 = arith.constant 3 : index
    %swap3A_176 = arith.constant 0 : index
    %swap3A_177 = arith.constant 0 : index
    %swap3A_178 = vector.load %arg8[%swap3A_175, %swap3A_176, %swap3A_177] : memref<4x200x128xf32, #tpu.memory_space<vmem>>, vector<1x200x128xf32>
    %swap3A_179 = vector.shape_cast %swap3A_178 : vector<1x200x128xf32> to vector<200x128xf32>
    %swap3A_180 = vector.shape_cast %add3A_174 : vector<200x128xf32> to vector<1x200x128xf32>
    tpu.vector_store %arg8[%swap3A_175, %swap3A_176, %swap3A_177], %swap3A_180 {strides = array<i32>} : memref<4x200x128xf32, #tpu.memory_space<vmem>>, vector<1x200x128xf32>,
    return
  }
  func.func @transform_0(%arg0: i32) -> (i32, i32) {
    %c0_i32 = arith.constant 0 : i32
    %c0_i32_0 = arith.constant 0 : i32
    return %arg0, %c0_i32 : i32, i32
  }
  func.func @transform_1(%arg0: i32) -> (i32, i32) {
    %c0_i32 = arith.constant 0 : i32
    %c0_i32_0 = arith.constant 0 : i32
    return %arg0, %c0_i32 : i32, i32
  }
  func.func @transform_2(%arg0: i32) -> (i32, i32) {
    %c0_i32 = arith.constant 0 : i32
    %c0_i32_0 = arith.constant 0 : i32
    %c0_i32_1 = arith.constant 0 : i32
    return %c0_i32, %c0_i32_0 : i32, i32
  }
  func.func @transform_3(%arg0: i32) -> (i32, i32, i32) {
    %c0_i32 = arith.constant 0 : i32
    %c0_i32_0 = arith.constant 0 : i32
    %c0_i32_1 = arith.constant 0 : i32
    return %c0_i32, %arg0, %c0_i32_0 : i32, i32, i32
  }
  func.func @transform_4(%arg0: i32) -> (i32, i32) {
    %c0_i32 = arith.constant 0 : i32
    %c0_i32_0 = arith.constant 0 : i32
    %c0_i32_1 = arith.constant 0 : i32
    return %c0_i32, %c0_i32_0 : i32, i32
  }
  func.func @transform_5(%arg0: i32) -> (i32, i32) {
    %c0_i32 = arith.constant 0 : i32
    %c0_i32_0 = arith.constant 0 : i32
    %c0_i32_1 = arith.constant 0 : i32
    return %c0_i32, %c0_i32_0 : i32, i32
  }
  func.func @transform_6(%arg0: i32) -> (i32, i32) {
    %c0_i32 = arith.constant 0 : i32
    %c0_i32_0 = arith.constant 0 : i32
    %c0_i32_1 = arith.constant 0 : i32
    return %c0_i32, %c0_i32_0 : i32, i32
  }
  func.func @transform_7(%arg0: i32) -> (i32, i32, i32) {
    %c0_i32 = arith.constant 0 : i32
    %c0_i32_0 = arith.constant 0 : i32
    %c0_i32_1 = arith.constant 0 : i32
    return %c0_i32, %arg0, %c0_i32_0 : i32, i32, i32
  }
}

module attributes {stable_mosaic.version = 14 : i64} {
  func.func @_matvec_kernel(%arg0: i32, %arg1: memref<200x10000xf32, #tpu.memory_space<vmem>>, %arg2: memref<10000x4xf32, #tpu.memory_space<vmem>>, %arg3: memref<200x4xf32, #tpu.memory_space<vmem>>) attributes {dimension_semantics = [#tpu.dimension_semantics<arbitrary>], iteration_bounds = array<i64: 50>, scalar_prefetch = 0 : i64, scratch_operands = 0 : i64, tpu.core_type = #tpu.core_type<tc>, window_params = [{transform_indices = @transform_0, window_bounds = array<i64: 200, 10000>}, {pipeline_mode = #tpu.pipeline_mode<synchronous>, transform_indices = @transform_1, window_bounds = array<i64: 10000, 4>}, {transform_indices = @transform_2, window_bounds = array<i64: 200, 4>}]} {
    %get3A = arith.constant 0 : index
    %get3A_0 = arith.constant 0 : index
    %get3A_1 = vector.load %arg1[%get3A, %get3A_0] : memref<200x10000xf32, #tpu.memory_space<vmem>>, vector<200x10000xf32>
    %get3A_2 = arith.constant 0 : index
    %get3A_3 = arith.constant 0 : index
    %get3A_4 = vector.load %arg2[%get3A_2, %get3A_3] : memref<10000x4xf32, #tpu.memory_space<vmem>>, vector<10000x4xf32>
    %mul3A = arith.constant 0.699999988 : f32
    %mul3A_5 = vector.broadcast %mul3A : f32 to vector<10000x4xf32>
    %mul3A_6 = arith.mulf %get3A_4, %mul3A_5 : vector<10000x4xf32>
    %dot_general3A = arith.constant dense<0.000000e+00> : vector<200x4xf32>
    %dot_general3A_7 = tpu.matmul %get3A_1, %mul3A_6, %dot_general3A {dimension_numbers = #tpu.dot_dimension_numbers<[1], [0], [0], [1], [0, 0, 1, 1], [], []>, transpose_lhs_hint = false} : vector<200x10000xf32>, vector<10000x4xf32>, vector<200x4xf32> -> vector<200x4xf32>
    %swap3A = arith.constant 0 : index
    %swap3A_8 = arith.constant 0 : index
    %swap3A_9 = vector.load %arg3[%swap3A, %swap3A_8] : memref<200x4xf32, #tpu.memory_space<vmem>>, vector<200x4xf32>
    tpu.vector_store %arg3[%swap3A, %swap3A_8], %dot_general3A_7 {strides = array<i32>} : memref<200x4xf32, #tpu.memory_space<vmem>>, vector<200x4xf32>,
    return
  }
  func.func @transform_0(%arg0: i32) -> (i32, i32) {
    %c0_i32 = arith.constant 0 : i32
    %c0_i32_0 = arith.constant 0 : i32
    return %arg0, %c0_i32 : i32, i32
  }
  func.func @transform_1(%arg0: i32) -> (i32, i32) {
    %c0_i32 = arith.constant 0 : i32
    %c0_i32_0 = arith.constant 0 : i32
    %c0_i32_1 = arith.constant 0 : i32
    return %c0_i32, %c0_i32_0 : i32, i32
  }
  func.func @transform_2(%arg0: i32) -> (i32, i32) {
    %c0_i32 = arith.constant 0 : i32
    %c0_i32_0 = arith.constant 0 : i32
    return %arg0, %c0_i32 : i32, i32
  }
}

module attributes {stable_mosaic.version = 14 : i64} {
  func.func @_prep_kernel(%arg0: i32, %arg1: memref<4x1000x128xf32, #tpu.memory_space<vmem>>, %arg2: memref<16x128xf32, #tpu.memory_space<vmem>>, %arg3: memref<16x128xf32, #tpu.memory_space<vmem>>, %arg4: memref<1000x4xf32, #tpu.memory_space<vmem>>) attributes {dimension_semantics = [#tpu.dimension_semantics<arbitrary>], iteration_bounds = array<i64: 10>, scalar_prefetch = 0 : i64, scratch_operands = 0 : i64, tpu.core_type = #tpu.core_type<tc>, window_params = [{transform_indices = @transform_0, window_bounds = array<i64: 4, 1000, 128>}, {pipeline_mode = #tpu.pipeline_mode<synchronous>, transform_indices = @transform_1, window_bounds = array<i64: 16, 128>}, {pipeline_mode = #tpu.pipeline_mode<synchronous>, transform_indices = @transform_2, window_bounds = array<i64: 16, 128>}, {transform_indices = @transform_3, window_bounds = array<i64: 1000, 4>}]} {
    %get3A = arith.constant 0 : index
    %get3A_0 = arith.constant 0 : index
    %get3A_1 = arith.constant 0 : index
    %get3A_2 = vector.load %arg1[%get3A, %get3A_0, %get3A_1] : memref<4x1000x128xf32, #tpu.memory_space<vmem>>, vector<4x1000x128xf32>
    %get3A_3 = arith.constant 0 : index
    %get3A_4 = arith.constant 0 : index
    %get3A_5 = vector.load %arg2[%get3A_3, %get3A_4] : memref<16x128xf32, #tpu.memory_space<vmem>>, vector<16x128xf32>
    %get3A_6 = arith.constant 0 : index
    %get3A_7 = arith.constant 0 : index
    %get3A_8 = vector.load %arg3[%get3A_6, %get3A_7] : memref<16x128xf32, #tpu.memory_space<vmem>>, vector<16x128xf32>
    %slice3A = vector.extract_strided_slice %get3A_2 {offsets = [0, 0, 0], sizes = [1, 1000, 128], strides = [1, 1, 1]} : vector<4x1000x128xf32> to vector<1x1000x128xf32>
    %squeeze3A = vector.shape_cast %slice3A : vector<1x1000x128xf32> to vector<1000x128xf32>
    %dot_general3A = arith.constant dense<0.000000e+00> : vector<1000x16xf32>
    %dot_general3A_9 = tpu.matmul %squeeze3A, %get3A_5, %dot_general3A {dimension_numbers = #tpu.dot_dimension_numbers<[1], [1], [0], [0], [0, 0, 1, 0], [], []>, transpose_lhs_hint = false} : vector<1000x128xf32>, vector<16x128xf32>, vector<1000x16xf32> -> vector<1000x16xf32>
    %slice3A_10 = vector.extract_strided_slice %get3A_2 {offsets = [0, 0, 0], sizes = [1, 1000, 128], strides = [1, 1, 1]} : vector<4x1000x128xf32> to vector<1x1000x128xf32>
    %squeeze3A_11 = vector.shape_cast %slice3A_10 : vector<1x1000x128xf32> to vector<1000x128xf32>
    %dot_general3A_12 = arith.constant dense<0.000000e+00> : vector<1000x16xf32>
    %dot_general3A_13 = tpu.matmul %squeeze3A_11, %get3A_8, %dot_general3A_12 {dimension_numbers = #tpu.dot_dimension_numbers<[1], [1], [0], [0], [0, 0, 1, 0], [], []>, transpose_lhs_hint = false} : vector<1000x128xf32>, vector<16x128xf32>, vector<1000x16xf32> -> vector<1000x16xf32>
    %mul3A = arith.mulf %dot_general3A_9, %dot_general3A_13 : vector<1000x16xf32>
    %reduce_sum3A = arith.constant dense<0.000000e+00> : vector<1000xf32>
    %reduce_sum3A_14 = vector.multi_reduction <add>, %mul3A, %reduce_sum3A [1] : vector<1000x16xf32> to vector<1000xf32>
    %broadcast_in_dim3A = vector.shape_cast %reduce_sum3A_14 : vector<1000xf32> to vector<1000x1xf32>
    %div3A = arith.constant 1.600000e+01 : f32
    %div3A_15 = vector.broadcast %div3A : f32 to vector<1000x1xf32>
    %div3A_16 = arith.divf %broadcast_in_dim3A, %div3A_15 : vector<1000x1xf32>
    %slice3A_17 = vector.extract_strided_slice %get3A_2 {offsets = [1, 0, 0], sizes = [1, 1000, 128], strides = [1, 1, 1]} : vector<4x1000x128xf32> to vector<1x1000x128xf32>
    %squeeze3A_18 = vector.shape_cast %slice3A_17 : vector<1x1000x128xf32> to vector<1000x128xf32>
    %dot_general3A_19 = arith.constant dense<0.000000e+00> : vector<1000x16xf32>
    %dot_general3A_20 = tpu.matmul %squeeze3A_18, %get3A_5, %dot_general3A_19 {dimension_numbers = #tpu.dot_dimension_numbers<[1], [1], [0], [0], [0, 0, 1, 0], [], []>, transpose_lhs_hint = false} : vector<1000x128xf32>, vector<16x128xf32>, vector<1000x16xf32> -> vector<1000x16xf32>
    %slice3A_21 = vector.extract_strided_slice %get3A_2 {offsets = [1, 0, 0], sizes = [1, 1000, 128], strides = [1, 1, 1]} : vector<4x1000x128xf32> to vector<1x1000x128xf32>
    %squeeze3A_22 = vector.shape_cast %slice3A_21 : vector<1x1000x128xf32> to vector<1000x128xf32>
    %dot_general3A_23 = arith.constant dense<0.000000e+00> : vector<1000x16xf32>
    %dot_general3A_24 = tpu.matmul %squeeze3A_22, %get3A_8, %dot_general3A_23 {dimension_numbers = #tpu.dot_dimension_numbers<[1], [1], [0], [0], [0, 0, 1, 0], [], []>, transpose_lhs_hint = false} : vector<1000x128xf32>, vector<16x128xf32>, vector<1000x16xf32> -> vector<1000x16xf32>
    %mul3A_25 = arith.mulf %dot_general3A_20, %dot_general3A_24 : vector<1000x16xf32>
    %reduce_sum3A_26 = arith.constant dense<0.000000e+00> : vector<1000xf32>
    %reduce_sum3A_27 = vector.multi_reduction <add>, %mul3A_25, %reduce_sum3A_26 [1] : vector<1000x16xf32> to vector<1000xf32>
    %broadcast_in_dim3A_28 = vector.shape_cast %reduce_sum3A_27 : vector<1000xf32> to vector<1000x1xf32>
    %div3A_29 = arith.constant 1.600000e+01 : f32
    %div3A_30 = vector.broadcast %div3A_29 : f32 to vector<1000x1xf32>
    %div3A_31 = arith.divf %broadcast_in_dim3A_28, %div3A_30 : vector<1000x1xf32>
    %slice3A_32 = vector.extract_strided_slice %get3A_2 {offsets = [2, 0, 0], sizes = [1, 1000, 128], strides = [1, 1, 1]} : vector<4x1000x128xf32> to vector<1x1000x128xf32>
    %squeeze3A_33 = vector.shape_cast %slice3A_32 : vector<1x1000x128xf32> to vector<1000x128xf32>
    %dot_general3A_34 = arith.constant dense<0.000000e+00> : vector<1000x16xf32>
    %dot_general3A_35 = tpu.matmul %squeeze3A_33, %get3A_5, %dot_general3A_34 {dimension_numbers = #tpu.dot_dimension_numbers<[1], [1], [0], [0], [0, 0, 1, 0], [], []>, transpose_lhs_hint = false} : vector<1000x128xf32>, vector<16x128xf32>, vector<1000x16xf32> -> vector<1000x16xf32>
    %slice3A_36 = vector.extract_strided_slice %get3A_2 {offsets = [2, 0, 0], sizes = [1, 1000, 128], strides = [1, 1, 1]} : vector<4x1000x128xf32> to vector<1x1000x128xf32>
    %squeeze3A_37 = vector.shape_cast %slice3A_36 : vector<1x1000x128xf32> to vector<1000x128xf32>
    %dot_general3A_38 = arith.constant dense<0.000000e+00> : vector<1000x16xf32>
    %dot_general3A_39 = tpu.matmul %squeeze3A_37, %get3A_8, %dot_general3A_38 {dimension_numbers = #tpu.dot_dimension_numbers<[1], [1], [0], [0], [0, 0, 1, 0], [], []>, transpose_lhs_hint = false} : vector<1000x128xf32>, vector<16x128xf32>, vector<1000x16xf32> -> vector<1000x16xf32>
    %mul3A_40 = arith.mulf %dot_general3A_35, %dot_general3A_39 : vector<1000x16xf32>
    %reduce_sum3A_41 = arith.constant dense<0.000000e+00> : vector<1000xf32>
    %reduce_sum3A_42 = vector.multi_reduction <add>, %mul3A_40, %reduce_sum3A_41 [1] : vector<1000x16xf32> to vector<1000xf32>
    %broadcast_in_dim3A_43 = vector.shape_cast %reduce_sum3A_42 : vector<1000xf32> to vector<1000x1xf32>
    %div3A_44 = arith.constant 1.600000e+01 : f32
    %div3A_45 = vector.broadcast %div3A_44 : f32 to vector<1000x1xf32>
    %div3A_46 = arith.divf %broadcast_in_dim3A_43, %div3A_45 : vector<1000x1xf32>
    %slice3A_47 = vector.extract_strided_slice %get3A_2 {offsets = [3, 0, 0], sizes = [1, 1000, 128], strides = [1, 1, 1]} : vector<4x1000x128xf32> to vector<1x1000x128xf32>
    %squeeze3A_48 = vector.shape_cast %slice3A_47 : vector<1x1000x128xf32> to vector<1000x128xf32>
    %dot_general3A_49 = arith.constant dense<0.000000e+00> : vector<1000x16xf32>
    %dot_general3A_50 = tpu.matmul %squeeze3A_48, %get3A_5, %dot_general3A_49 {dimension_numbers = #tpu.dot_dimension_numbers<[1], [1], [0], [0], [0, 0, 1, 0], [], []>, transpose_lhs_hint = false} : vector<1000x128xf32>, vector<16x128xf32>, vector<1000x16xf32> -> vector<1000x16xf32>
    %slice3A_51 = vector.extract_strided_slice %get3A_2 {offsets = [3, 0, 0], sizes = [1, 1000, 128], strides = [1, 1, 1]} : vector<4x1000x128xf32> to vector<1x1000x128xf32>
    %squeeze3A_52 = vector.shape_cast %slice3A_51 : vector<1x1000x128xf32> to vector<1000x128xf32>
    %dot_general3A_53 = arith.constant dense<0.000000e+00> : vector<1000x16xf32>
    %dot_general3A_54 = tpu.matmul %squeeze3A_52, %get3A_8, %dot_general3A_53 {dimension_numbers = #tpu.dot_dimension_numbers<[1], [1], [0], [0], [0, 0, 1, 0], [], []>, transpose_lhs_hint = false} : vector<1000x128xf32>, vector<16x128xf32>, vector<1000x16xf32> -> vector<1000x16xf32>
    %mul3A_55 = arith.mulf %dot_general3A_50, %dot_general3A_54 : vector<1000x16xf32>
    %reduce_sum3A_56 = arith.constant dense<0.000000e+00> : vector<1000xf32>
    %reduce_sum3A_57 = vector.multi_reduction <add>, %mul3A_55, %reduce_sum3A_56 [1] : vector<1000x16xf32> to vector<1000xf32>
    %broadcast_in_dim3A_58 = vector.shape_cast %reduce_sum3A_57 : vector<1000xf32> to vector<1000x1xf32>
    %div3A_59 = arith.constant 1.600000e+01 : f32
    %div3A_60 = vector.broadcast %div3A_59 : f32 to vector<1000x1xf32>
    %div3A_61 = arith.divf %broadcast_in_dim3A_58, %div3A_60 : vector<1000x1xf32>
    %concatenate3A = tpu.concatenate %div3A_16, %div3A_31, %div3A_46, %div3A_61 in 1 : vector<1000x1xf32>, vector<1000x1xf32>, vector<1000x1xf32>, vector<1000x1xf32> -> vector<1000x4xf32>
    %swap3A = arith.constant 0 : index
    %swap3A_62 = arith.constant 0 : index
    %swap3A_63 = vector.load %arg4[%swap3A, %swap3A_62] : memref<1000x4xf32, #tpu.memory_space<vmem>>, vector<1000x4xf32>
    tpu.vector_store %arg4[%swap3A, %swap3A_62], %concatenate3A {strides = array<i32>} : memref<1000x4xf32, #tpu.memory_space<vmem>>, vector<1000x4xf32>,
    return
  }
  func.func @transform_0(%arg0: i32) -> (i32, i32, i32) {
    %c0_i32 = arith.constant 0 : i32
    %c0_i32_0 = arith.constant 0 : i32
    %c0_i32_1 = arith.constant 0 : i32
    return %c0_i32, %arg0, %c0_i32_0 : i32, i32, i32
  }
  func.func @transform_1(%arg0: i32) -> (i32, i32) {
    %c0_i32 = arith.constant 0 : i32
    %c0_i32_0 = arith.constant 0 : i32
    %c0_i32_1 = arith.constant 0 : i32
    return %c0_i32, %c0_i32_0 : i32, i32
  }
  func.func @transform_2(%arg0: i32) -> (i32, i32) {
    %c0_i32 = arith.constant 0 : i32
    %c0_i32_0 = arith.constant 0 : i32
    %c0_i32_1 = arith.constant 0 : i32
    return %c0_i32, %c0_i32_0 : i32, i32
  }
  func.func @transform_3(%arg0: i32) -> (i32, i32) {
    %c0_i32 = arith.constant 0 : i32
    %c0_i32_0 = arith.constant 0 : i32
    return %arg0, %c0_i32 : i32, i32
  }
}

</mosaic_0001>

<sc_bundles>
// kernel: kernel.6.cloned.1.call-start
scs
__scs_entry_jumppad:
0x0: {  	(pc) =	sbr.rel $0x88, $3  }
0x1: {  	(tag) =	ssettag $0x0;
	lr =	simm.s32 $0x1  }
0x2: {  	[smem:$0x3F9A] =	sst lr;
	_ =	strace $0xD0000000  }
0x3: {  	_ = 	snop  }
0x4: {  	_ = 	snop  }
0x5: {  	_ = 	snop  }
0x6: {  	_ = 	snop  }
0x7: {  	_ = 	snop  }
__scs_overlays_trampoline_lowered:
0x8: {  	[smem:$0x3FA9] =	sst s0  }
0x9: {  	[smem:$0x3FAA] =	sst s1  }
0xa: {  	[smem:$0x3FAB] =	sst s2  }
0xb: {  	[smem:$0x3FAC] =	sst s3  }
0xc: {  	[smem:$0x3FAD] =	sst s4  }
0xd: {  	[smem:$0x3FAE] =	sst s5  }
0xe: {  	[smem:$0x3FAF] =	sst s6  }
0xf: {  	[smem:$0x3FB0] =	sst s7  }
0x10: {  	[smem:$0x3FB1] =	sst s8  }
0x11: {  	[smem:$0x3FB2] =	sst s9;
	s0 =	simm.s32 @!p0 $0x0  }
0x12: {  	s1 =	sld [smem:$0x3F98];
	s0 =	simm.s32 @p0 $0x1  }
0x13: {  	[smem:$0x3FB3] =	sst s0;
	s0 =	simm.s32 @!p1 $0x0  }
0x14: {  	s2 =	sld [smem:$0x3F97];
	s0 =	simm.s32 @p1 $0x1  }
0x15: {  	[smem:$0x3FB4] =	sst s0;
	s0 =	simm.s32 @!p2 $0x0  }
0x16: {  	s3 =	sld [smem:$0x3FDB];
	s0 =	simm.s32 @p2 $0x1  }
0x17: {  	s4 =	simm.s32 $0x1BF5;
	[smem:$0x3FB6] =	sst s0  }
0x18: {  	s0 =	sld [smem:$0x3F99];
	_ =	swait.ge [sflag:s4], $0x0  }
0x19: {  	s7 =	sld [smem:$0x3F9A]  }
0x1a: {  	s8 =	sadd.s32 $0xFFFFE003, lr  }
0x1b: {  	s9 =	sadd.s32 $0xFFFFFEF7, lr;
	s5 =	simm.s32 $0xFFFFFFFF;
	p2 =	slt.u32 s8, $0xFFFFF086  }
0x1c: {  	p1 =	slt.u32 s9, $0xF7A;
	s5 =	simm.s32 @!p2 $0x0  }
0x1d: {  	s5 =	simm.s32 @p1 $0x1;
	p0 =	seq.s32 s7, s2  }
0x1e: {  	s7 =	smul.u32 @!p0 $0xF7A, s2;
	p2 =	seq.s32 @!p0 s5, $0x0  }
0x1f: {  	s9 =	smul.u32 $0xF7A, s1;
	s8 =	simm.s32 @!p0 $0x1BF5;
	p2 =	por !p2, p0  }
0x20: {  	[sflag:s8] =	ssyncset.s32 @!p0 $0xFFFFF086;
	s6 =	sadd.s32 @!p0 s3, s7;
	s7 =	simm.s32 @!p0 $0x108  }
0x21: {  	s3 =	sadd.s32 s3, s9;
	s6 =	sadd.s32 @!p0 $0x88, s6;
	s7 =	simm.s32 @p2 $0x1082  }
0x22: {  	[simem:s7], [sflag:s8] =	dma.local @!p0 [hbm:s6], $0xF7A  }
0x23: {  	s9 =	sor.u32 $0xD0000000, s2;
	s6 =	simm.s32 $0x108;
	_ =	swait.ge @!p0 [sflag:s8], $0x0  }
0x24: {  	s3 =	sadd.s32 $0x88, s3;
	s6 =	simm.s32 @!p1 $0x1082;
	[sflag:s4] =	ssyncset.s32 $0xFFFFF086  }
0x25: {  	[simem:s6], [sflag:s4] =	dma.local [hbm:s3], $0xF7A  }
0x26: {  	[smem:$0x3F9A] =	sst s1;
	(tag) =	ssettag s2;
	_ =	strace s9  }
0x27: {  	s1 =	sld [smem:$0x3FAA]  }
0x28: {  	s2 =	sld [smem:$0x3FAB]  }
0x29: {  	s4 =	sld [smem:$0x3FAD]  }
0x2a: {  	p0 =	seq.s32 s5, $0x0;
	s5 =	sld [smem:$0x3FAE]  }
0x2b: {  	s6 =	sld [smem:$0x3FAF]  }
0x2c: {  	s7 =	sld [smem:$0x3FB0]  }
0x2d: {  	s3 =	simm.s32 $0x108;
	s8 =	sld [smem:$0x3FB1]  }
0x2e: {  	s3 =	simm.s32 @!p0 $0x1082;
	s9 =	sld [smem:$0x3FB2]  }
0x2f: {  	lr =	sadd.s32 s0, s3;
	s0 =	sld [smem:$0x3FA9]  }
0x30: {  	s3 =	sld [smem:$0x3FAC]  }
0x31: {  	[smem:$0x3FB5] =	sst s10  }
0x32: {  	s10 =	sld [smem:$0x3FB3];
	_ =	sdelay $0x3  }
0x33: {  	p0 =	seq.s32 s10, $0x1;
	s10 =	sld [smem:$0x3FB5];
	_ =	sdelay $0x3  }
0x34: {  	[smem:$0x3FB5] =	sst s10  }
0x35: {  	s10 =	sld [smem:$0x3FB4];
	_ =	sdelay $0x3  }
0x36: {  	p1 =	seq.s32 s10, $0x1;
	s10 =	sld [smem:$0x3FB5];
	_ =	sdelay $0x3  }
0x37: {  	[smem:$0x3FB5] =	sst s10  }
0x38: {  	s10 =	sld [smem:$0x3FB6]  }
0x39: {  	_ = 	snop;
	(pc) =	sbr.ind lr, $3  }
0x3a: {  	_ = 	snop  }
0x3b: {  	_ = 	snop  }
0x3c: {  	p2 =	seq.s32 s10, $0x1;
	s10 =	sld [smem:$0x3FB5]  }
0x3d: {  	_ =	shalt  }
0x3e: {  	_ =	shalt  }
0x3f: {  	_ =	shalt  }
0x40: {  	_ =	shalt  }
0x41: {  	_ =	shalt  }
0x42: {  	_ =	shalt  }
0x43: {  	_ =	shalt  }
0x44: {  	_ =	shalt  }
0x45: {  	_ =	shalt  }
0x46: {  	_ =	shalt  }
0x47: {  	_ =	shalt  }
0x48: {  	_ =	shalt  }
0x49: {  	_ =	shalt  }
0x4a: {  	_ =	shalt  }
0x4b: {  	_ =	shalt  }
0x4c: {  	_ =	shalt  }
0x4d: {  	_ =	shalt  }
0x4e: {  	_ =	shalt  }
0x4f: {  	_ =	shalt  }
0x50: {  	_ =	shalt  }
0x51: {  	_ =	shalt  }
0x52: {  	_ =	shalt  }
0x53: {  	_ =	shalt  }
0x54: {  	_ =	shalt  }
0x55: {  	_ =	shalt  }
0x56: {  	_ =	shalt  }
0x57: {  	_ =	shalt  }
0x58: {  	_ =	shalt  }
0x59: {  	_ =	shalt  }
0x5a: {  	_ =	shalt  }
0x5b: {  	_ =	shalt  }
0x5c: {  	_ =	shalt  }
0x5d: {  	_ =	shalt  }
0x5e: {  	_ =	shalt  }
0x5f: {  	_ =	shalt  }
0x60: {  	_ =	shalt  }
0x61: {  	_ =	shalt  }
0x62: {  	_ =	shalt  }
0x63: {  	_ =	shalt  }
0x64: {  	_ =	shalt  }
0x65: {  	_ =	shalt  }
0x66: {  	_ =	shalt  }
0x67: {  	_ =	shalt  }
0x68: {  	_ =	shalt  }
0x69: {  	_ =	shalt  }
0x6a: {  	_ =	shalt  }
0x6b: {  	_ =	shalt  }
0x6c: {  	_ =	shalt  }
0x6d: {  	_ =	shalt  }
0x6e: {  	_ =	shalt  }
0x6f: {  	_ =	shalt  }
0x70: {  	_ =	shalt  }
0x71: {  	_ =	shalt  }
0x72: {  	_ =	shalt  }
0x73: {  	_ =	shalt  }
0x74: {  	_ =	shalt  }
0x75: {  	_ =	shalt  }
0x76: {  	_ =	shalt  }
0x77: {  	_ =	shalt  }
0x78: {  	_ =	shalt  }
0x79: {  	_ =	shalt  }
0x7a: {  	_ =	shalt  }
0x7b: {  	_ =	shalt  }
0x7c: {  	_ =	shalt  }
0x7d: {  	_ =	shalt  }
0x7e: {  	_ =	shalt  }
0x7f: {  	_ =	shalt  }
0x80: {  	_ =	shalt  }
0x81: {  	_ =	shalt  }
0x82: {  	_ =	shalt  }
0x83: {  	_ =	shalt  }
0x84: {  	_ =	shalt  }
0x85: {  	_ =	shalt  }
0x86: {  	_ =	shalt  }
0x87: {  	_ =	shalt  }
.Lfunc_end0:
.L_simem_size_0:
called_computation_lowered:
.L_overlay_start_0:
0x88: {  	s2 =	sld [smem:$0x3FD9]  }
0x89: {  	s3 =	sld [smem:$0x3FFE];
	_ =	sdelay $0x1  }
0x8a: {  	s1 =	srdreg.scid  }
0x8b: {  	s0 =	sand.u32 $0x1, s1  }
0x8c: {  	s15 =	sshll.u32 s0, $0xA;
	s2 =	sadd.s32 s3, s2  }
0x8d: {  	s2 =	sadd.s32 s2, s15  }
0x8e: {  	[smem:$0x3FC1] =	sst s2  }
0x8f: {  	_ = 	snop  }
0x90: {  	s2 =	sld [smem:$0x3FD0];
	_ =	sdelay $0x2  }
0x91: {  	s4 =	simm.s32 $0xA;
	s5 =	simm.s32 $0x10;
	s16 =	sld [smem:$0x3FC8]  }
0x92: {  	[smem:s5], [sflag:s4] =	dma.local [hbm:s2], $0x1  }
0x93: {  	_ =	swait.eq [sflag:s4], $0x1  }
0x94: {  	[sflag:s4] =	ssyncset.done $0x0  }
0x95: {  	[sflag:s4] =	ssyncadd.s32 $0xFFFFFFFF  }
0x96: {  	s17 =	sld [smem:$0x11];
	(tm) =	ssettm $0x1  }
0x97: {  	s18 =	sld [smem:$0x3FFB];
	_ =	sdelay $0x3  }
0x98: {  	_ =	strace s18  }
0x99: {  	s4 =	sld [smem:$0x3FFC];
	_ =	sdelay $0x3  }
0x9a: {  	_ =	strace s4  }
0x9b: {  	s4 =	sld [smem:$0x3FFD];
	_ =	sdelay $0x3  }
0x9c: {  	_ =	strace s4  }
0x9d: {  	_ =	strace $0x8FFFFFFF  }
0x9e: {  	s19 =	sld [smem:$0x3FDB];
	_ =	sdelay $0x1  }
0x9f: {  	s20 =	simm.s32 $_scs_section_size  }
0xa0: {  	s6 =	simm.s32 $_size__tile_overlayer_lowered;
	s7 =	simm.s32 $_tile_overlayer_lowered  }
0xa1: {  	s23 =	simm.s32 $0x1BFF;
	s22 =	sshll.u32 s7, $0x1;
	s4 =	sadd.s32 s20, s19  }
0xa2: {  	s8 =	simm.s32 $0x0;
	s21 =	sshll.u32 s6, $0x1;
	s6 =	sadd.s32 s22, s4  }
0xa3: {  	[timem:s8], [sflag:s23] =	dma.local [hbm:s6], s21  }
0xa4: {  	_ =	swait.ge [sflag:s23], s21  }
0xa5: {  	s5 =	ssub.s32 $0x0, s21;
	[sflag:s23] =	ssyncset.done $0x0  }
0xa6: {  	[sflag:s23] =	ssyncadd.s32 s5;
	_ =	sdelay $0x1  }
0xa7: {  	s24 =	simm.s32 $0x1B8B  }
0xa8: {  	_ =	swait.ge [sflag:s24], $0x1  }
0xa9: {  	[sflag:s24] =	ssyncset.done $0x0  }
0xaa: {  	s25 =	simm.s32 $0x1B8E;
	[sflag:s24] =	ssyncadd.s32 $0xFFFFFFFF  }
0xab: {  	s26 =	simm.s32 $execute0_lowered;
	[smem:$0x3FD2] =	sst s25  }
0xac: {  	s5 =	sshll.u32 s26, $0x1;
	_ =	strace $0x80000046;
	[dreg:$0x1] =	wrdreg $0xFFFFFFFF  }
0xad: {  	s28 =	simm.s32 $_size_execute0_lowered;
	s4 =	sadd.s32 s4, s5;
	[dreg:$0x0] =	wrdreg $0x0  }
0xae: {  	s5 =	sshll.u32 s28, $0x1;
	[dreg:$0x2] =	wrdreg s4  }
0xaf: {  	[dreg:$0x3] =	wrdreg s5  }
0xb0: {  	[dreg:$0x4] =	wrdreg $0xC0  }
0xb1: {  	_ =	task [dreg:s8], $0x5FFFF  }
0xb2: {  	[dreg:$0x1] =	wrdreg $0xFFFFFFFF  }
0xb3: {  	[dreg:$0x0] =	wrdreg $0x60  }
0xb4: {  	[dreg:$0x2] =	wrdreg s16  }
0xb5: {  	[dreg:$0x3] =	wrdreg s17  }
0xb6: {  	[dreg:$0x4] =	wrdreg $0x9  }
0xb7: {  	_ =	task.clear_ibuf [dreg:s8], $0x5FFFF;
	_ =	strace $0x90000046  }
0xb8: {  	s29 =	simm.s32 $0x9;
	_ =	strace $0x80000048  }
0xb9: {  	_ =	swait.ge [sflag:s29], $0x1  }
0xba: {  	[sflag:s29] =	ssyncadd.s32 $0xFFFFFFFF  }
0xbb: {  	_ =	strace $0x90000048  }
0xbc: {  	_ =	sfence  }
0xbd: {  	s30 =	sld [smem:$0x0];
	_ =	sdelay $0x2  }
0xbe: {  	s31 =	sshll.u32 s1, $0xD;
	s1 =	sshrl.u32 s1, $0x2  }
0xbf: {  	s3 =	sand.u32 $0x4000, s31;
	s1 =	sadd.s32 s1, s30  }
0xc0: {  	s0 =	sor.u32 s3, s0;
	s1 =	sshll.u32 s1, $0x11  }
0xc1: {  	s0 =	sor.u32 s1, s0  }
0xc2: {  	s0 =	sadd.s32 $0x8F2B, s0  }
0xc3: {  	[sflag:s0] =	ssyncadd.remote.s32 $0x1  }
0xc4: {  	_ =	sfence.sel $0xFFFF  }
0xc5: {  	[dreg:$0x0] =	wrdreg $0xFFFFFFFF;
	(pc) =	sbr.abs _section_cstart, $3  }
0xc6: {  	[dreg:$0x1] =	wrdreg $0xFFFFFFFF  }
0xc7: {  	_ =	task.clear_ibuf [dreg:s8], $0x2FFFF;
	_ =	strace $0x9FFFFFFF  }
0xc8: {  	(tm) =	ssettm $0x7FFFFFFF  }
0xc9: {  	_ =	shalt  }
tec
execute0_lowered:
.L_overlay_start_1:
0x0: {  	(tag) =	ssettag $0x1  }
0x1: {  	s2 =	rddreg [dreg:$0x0]  }
0x2: {  	s3 =	rddreg [dreg:$0x1]  }
0x3: {  	s0 =	rddreg [dreg:$0x2]  }
0x4: {  	s5 =	srdreg.scid;
	s1 =	stileid.u32  }
0x5: {  	s4 =	simm.s32 $0x0;
	s9 =	simm.s32 $0x400;
	s10 =	simm.s32 $0x1  }
0x6: {  	s11 =	simm.s32 $0x0;
	s5 =	sand.u32 $0x1, s5;
	s6 =	sshll.u32 s1, $0x1  }
0x7: {  	[smem:$0x7FF] =	sst s4;
	s7 =	ssub.s32 $0x2, s5;
	s6 =	sor.u32 s5, s6  }
0x8: {  	_ =	strace $0x80000047;
	s8 =	sshrl.u32 s7, $0x1;
	s6 =	ssub.s32 $0x9E3, s6  }
0x9: {  	s5 =	sshll.u32 s5, $0x9;
	s7 =	ssub.s32 s7, s8;
	s31 =	sshrl.u32 s6, $0x1  }
0xa: {  	s8 =	simm.s32 $0x200;
	s6 =	smax.u32 s7, $0x1;
	s7 =	sand.u32 $0x4F0, s31  }
.LBB2_1:
0xb: {  	s12 =	sand.u32 $0x3FFFF0, s4;
	p1 =	sne.s32 s7, $0x10  }
.Ltmp0:
0xc: {  	s12 =	sor.u32 s1, s12;
	(pc) =	sbr.rel @!p1 .LBB2_4-.Ltmp0, $3  }
0xd: {  	s12 =	smul.u32 $0x13C00, s12;
	_ =	sdelay $0x1  }
0xe: {  	s12 =	sor.u32 s5, s12  }
0xf: {  	s13 =	simm.s32 $0x10;
	p0 =	por $0x0, $0x0;
	s12 =	sshrl.u32 s12, $0x3  }
0x10: {  	s14 =	sadd.s32 s2, s12  }
0x11: {  	[tilespmem:s4], [sflag:$0x1] =	stream.strided.gather [hbm4b:s14+s8], $0x9E00, s9, s8, $0x38;
	[tilespmem:$0x9E00] =	vst v63  }
0x12: {  	s29 =	sand.u32 $0x3FFFF0, s13;
	p1 =	sne.s32 s7, $0x20;
	_ =	swait.ge [sflag:s10], $0x9E00  }
.Ltmp1:
0x13: {  	s14 =	sor.u32 s1, s29;
	[sflag:s10] =	ssyncset.done $0x0;
	(pc) =	sbr.rel @!p1 .LBB2_4-.Ltmp1, $4  }
0x14: {  	s30 =	sadd.s32 s3, s12;
	s14 =	smul.u32 $0x13C00, s14;
	[sflag:s10] =	ssyncadd.s32 $0xFFFF6200  }
0x15: {  	[hbm4b:s30+s8] =	stream.strided.scatter [tilespmem:s4], [sflag:$0x1], $0x9E00, s9, s8, $0x38;
	[tilespmem:$0x9E00] =	vst v63  }
0x16: {  	s13 =	simm.s32 $0x20;
	s31 =	sor.u32 s5, s14;
	_ =	swait.ge [sflag:s10], $0x9E00  }
0x17: {  	p0 =	por $0x1, $0x1;
	s12 =	sshrl.u32 s31, $0x3;
	[sflag:s10] =	ssyncset.done $0x0  }
.LBB2_3:
0x18: {  	s14 =	sadd.s32 s2, s12  }
0x19: {  	[sflag:s10] =	ssyncadd.s32 $0xFFFF6200;
	s15 =	smov.u32 s13;
	s13 =	sadd.s32 $0x10, s13  }
0x1a: {  	[tilespmem:s4], [sflag:$0x1] =	stream.strided.gather [hbm4b:s14+s8], $0x9E00, s9, s8, $0x38;
	[tilespmem:$0x9E00] =	vst v63  }
0x1b: {  	s14 =	sand.u32 $0x3FFFF0, s15;
	p1 =	sne.s32 s7, s13;
	_ =	swait.ge [sflag:s10], $0x9E00  }
.Ltmp2:
0x1c: {  	s14 =	sor.u32 s1, s14;
	[sflag:s10] =	ssyncset.done $0x0;
	(pc) =	sbr.rel @p1 .LBB2_3-.Ltmp2, $4  }
0x1d: {  	s12 =	sadd.s32 s3, s12;
	s14 =	smul.u32 $0x13C00, s14;
	[sflag:s10] =	ssyncadd.s32 $0xFFFF6200  }
0x1e: {  	[hbm4b:s12+s8] =	stream.strided.scatter [tilespmem:s4], [sflag:$0x1], $0x9E00, s9, s8, $0x38;
	[tilespmem:$0x9E00] =	vst v63  }
0x1f: {  	s12 =	sor.u32 s5, s14;
	_ =	swait.ge [sflag:s10], $0x9E00  }
0x20: {  	s12 =	sshrl.u32 s12, $0x3;
	[sflag:s10] =	ssyncset.done $0x0  }
.LBB2_4:
0x21: {  	s13 =	sadd.s32 s2, s12;
	[sflag:s10] =	ssyncadd.s32 @p0 $0xFFFF6200  }
0x22: {  	[tilespmem:s4], [sflag:$0x1] =	stream.strided.gather [hbm4b:s13+s8], $0x9E00, s9, s8, $0x38;
	[tilespmem:$0x9E00] =	vst v63  }
0x23: {  	s11 =	sadd.s32 $0x1, s11;
	_ =	swait.ge [sflag:s10], $0x9E00  }
0x24: {  	p0 =	sne.s32 s11, s6;
	[sflag:s10] =	ssyncset.done $0x0  }
.Ltmp3:
0x25: {  	s31 =	sadd.s32 s3, s12;
	[sflag:s10] =	ssyncadd.s32 $0xFFFF6200;
	(pc) =	sbr.rel @p0 .LBB2_1-.Ltmp3, $4  }
0x26: {  	[hbm4b:s31+s8] =	stream.strided.scatter [tilespmem:s4], [sflag:$0x1], $0x9E00, s9, s8, $0x38;
	[tilespmem:$0x9E00] =	vst v63  }
0x27: {  	_ =	swait.ge [sflag:s10], $0x9E00  }
0x28: {  	[sflag:s10] =	ssyncset.done $0x0  }
0x29: {  	[sflag:s10] =	ssyncadd.s32 $0xFFFF6200  }
0x2a: {  	_ =	sfence.sel $0x180000  }
0x2b: {  	[bflag:$0x0] =	sbarrier.arrive $0xFFFF  }
0x2c: {  	p0 =	sne.s32 s1, $0x0;
	_ =	strace $0x90000047  }
0x2d: {  	s0 =	sadd.s32 @!p0 $0x100000, s0;
	[bflag:$0x2] =	sbarrier.arrive $0xFFFF  }
0x2e: {  	[sflag:s0] =	ssyncadd.tile.s32 @!p0 $0x1;
	_ =	shalt  }
.Lfunc_end2:
_tile_overlayer_lowered:
.L_overlay_start_2:
0x2f: {  	(tag) =	ssettag $0x2  }
0x30: {  	s0 =	rddreg [dreg:$0x0];
	s2 =	stileid.u32  }
0x31: {  	s1 =	rddreg [dreg:$0x1];
	p0 =	sne.s32 s2, $0x0  }
0x32: {  	s3 =	rddreg [dreg:$0x2];
	[bflag:$0x3] =	sbarrier.arrive $0xFFFF;
	s2 =	simm.s32 @!p0 $0x1C01  }
0x33: {  	[timem:s3], [sflag:s2] =	dma.local @!p0 [hbm:s0], s1  }
0x34: {  	s0 =	simm.s32 @!p0 $0x1  }
0x35: {  	_ =	swait.ge @!p0 [sflag:s0], s1  }
0x36: {  	s1 =	ssub.s32 @!p0 $0x0, s1;
	[sflag:s0] =	ssyncset.done @!p0 $0x0  }
0x37: {  	[sflag:s0] =	ssyncadd.s32 @!p0 s1  }
0x38: {  	[bflag:$0x3] =	sbarrier.arrive $0xFFFF  }
0x39: {  	_ =	shalt  }

</sc_bundles>
